<compile_context>
chip_gen: v7x
topology: tpu7x:2x2x1
jax: 0.10.2.dev20260603
libtpu: 0.0.44.dev20260713+nightly
codegen_flags: <defaults>
</compile_context>

<pallas_src>
import functools

import jax
import jax.numpy as jnp
from jax import lax
from jax.experimental import pallas as pl
from jax.experimental.pallas import tpu as pltpu
from jax.experimental.pallas import tpu_sc as plsc

ACTION_SIZE = 4
POINT_SIZE = 11
EMBED_DIM = 128
P_PAD = 16
BLK = 4096
LANES = 16


def _sims_body(x_ref, av_ref, out_ref):
    av = av_ref[:]
    n2sq = jnp.sum(av * av, axis=0, keepdims=True)
    avn = av * jax.lax.rsqrt(jnp.maximum(n2sq, 1e-30))
    out_ref[:] = jax.lax.dot_general(
        x_ref[:], avn, (((1,), (0,)), ((), ())),
        preferred_element_type=jnp.float32,
        precision=jax.lax.Precision.HIGHEST)


def _scores(embedded_words, av_pad):
    batch = embedded_words.shape[0]
    return pl.pallas_call(
        _sims_body,
        grid=(batch // BLK,),
        in_specs=[
            pl.BlockSpec((BLK, EMBED_DIM), lambda i: (i, 0)),
            pl.BlockSpec((EMBED_DIM, P_PAD), lambda i: (0, 0)),
        ],
        out_specs=pl.BlockSpec((BLK, P_PAD), lambda i: (i, 0)),
        out_shape=jax.ShapeDtypeStruct((batch, P_PAD), jnp.float32),
    )(embedded_words, av_pad)


def _argmax_onehot_sc(scores_flat, batch):
    info = plsc.get_sparse_core_info()
    num_cores = info.num_cores
    n_workers = num_cores * info.num_subcores
    rpw = batch // n_workers
    mesh = plsc.VectorSubcoreMesh(
        core_axis_name="c", subcore_axis_name="s", num_cores=num_cores)

    @functools.partial(
        pl.kernel,
        out_type=jax.ShapeDtypeStruct((batch * ACTION_SIZE,), jnp.float32),
        mesh=mesh,
        scratch_types=[
            pltpu.VMEM((rpw * P_PAD,), jnp.float32),
            pltpu.VMEM((rpw * ACTION_SIZE,), jnp.float32),
        ],
        compiler_params=pltpu.CompilerParams(needs_layout_passes=False),
    )
    def _sc(s_hbm, out_hbm, s_v, out_v):
        wid = lax.axis_index("s") * num_cores + lax.axis_index("c")
        base = wid * rpw
        pltpu.sync_copy(s_hbm.at[pl.ds(base * P_PAD, rpw * P_PAD)], s_v)

        def body(i, carry):
            row = i * LANES + lax.iota(jnp.int32, LANES)
            srow = row * P_PAD
            v = [plsc.load_gather(s_v, [srow + p])
                 for p in range(POINT_SIZE)]
            g0 = jnp.maximum(jnp.maximum(v[0], v[1]), jnp.maximum(v[2], v[3]))
            g1 = jnp.maximum(
                jnp.maximum(jnp.maximum(v[4], v[5]), jnp.maximum(v[6], v[7])),
                v[8])
            g2 = v[9]
            g3 = v[10]
            mx = jnp.maximum(jnp.maximum(g0, g1), jnp.maximum(g2, g3))
            o0 = g0 >= mx
            o1 = (g1 >= mx) & ~o0
            o2 = (g2 >= mx) & ~(o0 | o1)
            o3 = ~(o0 | o1 | o2)
            one = jnp.full((LANES,), 1.0, jnp.float32)
            zero = jnp.zeros((LANES,), jnp.float32)
            orow = row * ACTION_SIZE
            for a, o in enumerate((o0, o1, o2, o3)):
                plsc.store_scatter(out_v, [orow + a], jnp.where(o, one, zero))
            return carry

        lax.fori_loop(0, rpw // LANES, body, 0)
        pltpu.sync_copy(
            out_v, out_hbm.at[pl.ds(base * ACTION_SIZE, rpw * ACTION_SIZE)])

    return _sc(scores_flat)


def kernel(embedded_words, action_vectors):
    batch = embedded_words.shape[0]
    av = action_vectors[0]
    av_pad = jnp.pad(av, ((0, 0), (0, P_PAD - POINT_SIZE)))
    scores = _scores(embedded_words, av_pad)
    onehot = _argmax_onehot_sc(scores.reshape(-1), batch)
    return onehot.reshape(batch, ACTION_SIZE)

# --- scband reference (transcript-rebuilt; emitter-appended) ---
"""Pipeline reference for scband-fixed-action-decoder-18150531792935 (READ-ONLY COPY).

The authoritative reference and input builder live on the scoring server;
editing this copy changes nothing except your own understanding.
"""

import jax, jax.numpy as jnp
import numpy as np

ACTION_INDEX = np.array([0, 0, 0, 0, 1, 1, 1, 1, 1, 2, 3], dtype=np.int64)
ACTION_SIZE = 4
POINT_SIZE = 11
EMBED_DIM = 128
BATCH = 16384

def setup_inputs(seed: int = 0) -> dict:
    key = jax.random.key(seed)
    k1, k2 = jax.random.split(key)
    embedded_words = jax.random.normal(k1, (BATCH, EMBED_DIM), dtype=jnp.float32)
    # action_vectors is a fixed buffer built from short_embed(word); emulate with random unit-ish vectors
    action_vectors = jax.random.normal(k2, (1, EMBED_DIM, POINT_SIZE), dtype=jnp.float32)
    return {"embedded_words": embedded_words, "action_vectors": action_vectors}

def reference(embedded_words, action_vectors):
    batch_size = embedded_words.shape[0]
    action_index = jnp.asarray(ACTION_INDEX)
    # cosine similarity along the feature dim between embedded_words[B,d,1] (broadcast) and action_vectors[1,d,P]
    a = embedded_words[:, :, None]                      # [B, d, 1]
    av = action_vectors                                 # [1, d, P]
    num = jnp.sum(a * av, axis=1)                       # [B, P]
    n1 = jnp.linalg.norm(embedded_words, axis=1, keepdims=True)   # [B, 1]
    n2 = jnp.linalg.norm(action_vectors[0], axis=0)[None, :]      # [1, P]
    sims = num / jnp.maximum(n1 * n2, 1e-8)             # [B, P]
    sims_flat = sims.reshape(-1)                        # [B*P]
    batch_action_index = (action_index[None, :] + ACTION_SIZE * jnp.arange(batch_size, dtype=jnp.int64)[:, None]).reshape(-1)
    # global_max_pool == segment max over flat sims
    pooled = jax.ops.segment_max(sims_flat, batch_action_index, num_segments=batch_size * ACTION_SIZE)
    batchwise_action_sims = pooled.reshape(batch_size, ACTION_SIZE)
    action_idx = jnp.argmax(batchwise_action_sims, axis=1) + jnp.arange(batch_size, dtype=jnp.int64) * ACTION_SIZE
    ret = jnp.zeros(batch_size * ACTION_SIZE, dtype=jnp.float32).at[action_idx].set(1.0)
    return ret.reshape(batch_size, ACTION_SIZE)

if __name__ == "__main__":
    import jax
    _d = setup_inputs()
    print(jax.jit(kernel)(*tuple(_d.values())))

</pallas_src>

<mosaic_0001>
#map = affine_map<(d0, d1) -> (0)>
module attributes {stable_mosaic.version = 14 : i64} {
  func.func @_sc(%arg0: i32, %arg1: i32, %arg2: memref<262144xf32, #tpu.memory_space<hbm>>, %arg3: memref<65536xf32, #tpu.memory_space<hbm>>, %arg4: memref<8192xf32, #tpu.memory_space<vmem>>, %arg5: memref<2048xf32, #tpu.memory_space<vmem>>) attributes {dimension_semantics = [#tpu.dimension_semantics<core_parallel>, #tpu.dimension_semantics<subcore_parallel>], iteration_bounds = array<i64: 2, 16>, scalar_prefetch = 0 : i64, scratch_operands = 2 : i64, tpu.core_type = #tpu.core_type<sc_vector_subcore>, window_params = [{transform_indices = #map}, {transform_indices = #map}]} {
    %mul3A = arith.constant 2 : i32
    %mul3A_0 = arith.muli %arg1, %mul3A : i32
    %add3A = arith.addi %mul3A_0, %arg0 : i32
    %mul3A_1 = arith.constant 512 : i32
    %mul3A_2 = arith.muli %add3A, %mul3A_1 : i32
    %mul3A_3 = arith.constant 16 : i32
    %mul3A_4 = arith.muli %mul3A_2, %mul3A_3 : i32
    "tpu.region"() ({
      %run_scoped3A = tpu.sem_alloc : memref<!tpu.dma_semaphore, #tpu.memory_space<semaphore_mem>>
      %dma_start3A = tpu.memref_slice %arg2[%mul3A_4] : memref<262144xf32, #tpu.memory_space<hbm>> -> memref<8192xf32, #tpu.memory_space<hbm>>
      %dma_start3A_12 = tpu.memref_slice %arg2[%mul3A_4] : memref<262144xf32, #tpu.memory_space<hbm>> -> memref<8192xf32, #tpu.memory_space<hbm>>
      tpu.enqueue_dma source(%dma_start3A_12 : memref<8192xf32, #tpu.memory_space<hbm>>) target(%arg4 : memref<8192xf32, #tpu.memory_space<vmem>>) target_semaphore(%run_scoped3A : memref<!tpu.dma_semaphore, #tpu.memory_space<semaphore_mem>>)
      %dma_wait3A = tpu.memref_slice %arg2[%mul3A_4] : memref<262144xf32, #tpu.memory_space<hbm>> -> memref<8192xf32, #tpu.memory_space<hbm>>
      %dma_wait3A_13 = tpu.memref_slice %arg2[%mul3A_4] : memref<262144xf32, #tpu.memory_space<hbm>> -> memref<8192xf32, #tpu.memory_space<hbm>>
      tpu.wait_dma2 semaphore(%run_scoped3A : memref<!tpu.dma_semaphore, #tpu.memory_space<semaphore_mem>>) src(%dma_wait3A_13 : memref<8192xf32, #tpu.memory_space<hbm>>) dst(%arg4 : memref<8192xf32, #tpu.memory_space<vmem>>)
      tpu.yield
    }) : () -> ()
    %scan3A = arith.constant 0 : i32
    %scan3A_5 = arith.constant 0 : i32
    %scan3A_6 = arith.constant 32 : i32
    %scan3A_7 = arith.addi %scan3A_5, %scan3A_6 : i32
    %scan3A_8 = arith.constant 1 : i32
    scf.for %scan3A_12 = %scan3A_5 to %scan3A_7 step %scan3A_8  : i32 {
      %mul3A_13 = arith.constant 16 : i32
      %mul3A_14 = arith.muli %scan3A_12, %mul3A_13 : i32
      %iota3A = tpu.iota {dimensions = array<i32: 0>} : vector<16xi32>
      %add3A_15 = vector.broadcast %mul3A_14 : i32 to vector<16xi32>
      %add3A_16 = arith.addi %add3A_15, %iota3A : vector<16xi32>
      %mul3A_17 = arith.constant 16 : i32
      %mul3A_18 = vector.broadcast %mul3A_17 : i32 to vector<16xi32>
      %mul3A_19 = arith.muli %add3A_16, %mul3A_18 : vector<16xi32>
      %add3A_20 = arith.constant 0 : i32
      %add3A_21 = vector.broadcast %add3A_20 : i32 to vector<16xi32>
      %add3A_22 = arith.addi %mul3A_19, %add3A_21 : vector<16xi32>
      %gather3A = tpu.vector_load_idx %arg4[%add3A_22] : memref<8192xf32, #tpu.memory_space<vmem>>[vector<16xi32>], vector<16xf32>,
      %add3A_23 = arith.constant 1 : i32
      %add3A_24 = vector.broadcast %add3A_23 : i32 to vector<16xi32>
      %add3A_25 = arith.addi %mul3A_19, %add3A_24 : vector<16xi32>
      %gather3A_26 = tpu.vector_load_idx %arg4[%add3A_25] : memref<8192xf32, #tpu.memory_space<vmem>>[vector<16xi32>], vector<16xf32>,
      %add3A_27 = arith.constant 2 : i32
      %add3A_28 = vector.broadcast %add3A_27 : i32 to vector<16xi32>
      %add3A_29 = arith.addi %mul3A_19, %add3A_28 : vector<16xi32>
      %gather3A_30 = tpu.vector_load_idx %arg4[%add3A_29] : memref<8192xf32, #tpu.memory_space<vmem>>[vector<16xi32>], vector<16xf32>,
      %add3A_31 = arith.constant 3 : i32
      %add3A_32 = vector.broadcast %add3A_31 : i32 to vector<16xi32>
      %add3A_33 = arith.addi %mul3A_19, %add3A_32 : vector<16xi32>
      %gather3A_34 = tpu.vector_load_idx %arg4[%add3A_33] : memref<8192xf32, #tpu.memory_space<vmem>>[vector<16xi32>], vector<16xf32>,
      %add3A_35 = arith.constant 4 : i32
      %add3A_36 = vector.broadcast %add3A_35 : i32 to vector<16xi32>
      %add3A_37 = arith.addi %mul3A_19, %add3A_36 : vector<16xi32>
      %gather3A_38 = tpu.vector_load_idx %arg4[%add3A_37] : memref<8192xf32, #tpu.memory_space<vmem>>[vector<16xi32>], vector<16xf32>,
      %add3A_39 = arith.constant 5 : i32
      %add3A_40 = vector.broadcast %add3A_39 : i32 to vector<16xi32>
      %add3A_41 = arith.addi %mul3A_19, %add3A_40 : vector<16xi32>
      %gather3A_42 = tpu.vector_load_idx %arg4[%add3A_41] : memref<8192xf32, #tpu.memory_space<vmem>>[vector<16xi32>], vector<16xf32>,
      %add3A_43 = arith.constant 6 : i32
      %add3A_44 = vector.broadcast %add3A_43 : i32 to vector<16xi32>
      %add3A_45 = arith.addi %mul3A_19, %add3A_44 : vector<16xi32>
      %gather3A_46 = tpu.vector_load_idx %arg4[%add3A_45] : memref<8192xf32, #tpu.memory_space<vmem>>[vector<16xi32>], vector<16xf32>,
      %add3A_47 = arith.constant 7 : i32
      %add3A_48 = vector.broadcast %add3A_47 : i32 to vector<16xi32>
      %add3A_49 = arith.addi %mul3A_19, %add3A_48 : vector<16xi32>
      %gather3A_50 = tpu.vector_load_idx %arg4[%add3A_49] : memref<8192xf32, #tpu.memory_space<vmem>>[vector<16xi32>], vector<16xf32>,
      %add3A_51 = arith.constant 8 : i32
      %add3A_52 = vector.broadcast %add3A_51 : i32 to vector<16xi32>
      %add3A_53 = arith.addi %mul3A_19, %add3A_52 : vector<16xi32>
      %gather3A_54 = tpu.vector_load_idx %arg4[%add3A_53] : memref<8192xf32, #tpu.memory_space<vmem>>[vector<16xi32>], vector<16xf32>,
      %add3A_55 = arith.constant 9 : i32
      %add3A_56 = vector.broadcast %add3A_55 : i32 to vector<16xi32>
      %add3A_57 = arith.addi %mul3A_19, %add3A_56 : vector<16xi32>
      %gather3A_58 = tpu.vector_load_idx %arg4[%add3A_57] : memref<8192xf32, #tpu.memory_space<vmem>>[vector<16xi32>], vector<16xf32>,
      %add3A_59 = arith.constant 10 : i32
      %add3A_60 = vector.broadcast %add3A_59 : i32 to vector<16xi32>
      %add3A_61 = arith.addi %mul3A_19, %add3A_60 : vector<16xi32>
      %gather3A_62 = tpu.vector_load_idx %arg4[%add3A_61] : memref<8192xf32, #tpu.memory_space<vmem>>[vector<16xi32>], vector<16xf32>,
      %max3A = arith.maximumf %gather3A, %gather3A_26 : vector<16xf32>
      %max3A_63 = arith.maximumf %gather3A_30, %gather3A_34 : vector<16xf32>
      %max3A_64 = arith.maximumf %max3A, %max3A_63 : vector<16xf32>
      %max3A_65 = arith.maximumf %gather3A_38, %gather3A_42 : vector<16xf32>
      %max3A_66 = arith.maximumf %gather3A_46, %gather3A_50 : vector<16xf32>
      %max3A_67 = arith.maximumf %max3A_65, %max3A_66 : vector<16xf32>
      %max3A_68 = arith.maximumf %max3A_67, %gather3A_54 : vector<16xf32>
      %max3A_69 = arith.maximumf %max3A_64, %max3A_68 : vector<16xf32>
      %max3A_70 = arith.maximumf %gather3A_58, %gather3A_62 : vector<16xf32>
      %max3A_71 = arith.maximumf %max3A_69, %max3A_70 : vector<16xf32>
      %ge3A = arith.cmpf oge, %max3A_64, %max3A_71 : vector<16xf32>
      %ge3A_72 = arith.cmpf oge, %max3A_68, %max3A_71 : vector<16xf32>
      %not3A = arith.constant dense<true> : vector<16xi1>
      %not3A_73 = arith.xori %ge3A, %not3A : vector<16xi1>
      %and3A = arith.andi %ge3A_72, %not3A_73 : vector<16xi1>
      %ge3A_74 = arith.cmpf oge, %gather3A_58, %max3A_71 : vector<16xf32>
      %or3A = arith.ori %ge3A, %and3A : vector<16xi1>
      %not3A_75 = arith.constant dense<true> : vector<16xi1>
      %not3A_76 = arith.xori %or3A, %not3A_75 : vector<16xi1>
      %and3A_77 = arith.andi %ge3A_74, %not3A_76 : vector<16xi1>
      %or3A_78 = arith.ori %ge3A, %and3A : vector<16xi1>
      %or3A_79 = arith.ori %or3A_78, %and3A_77 : vector<16xi1>
      %not3A_80 = arith.constant dense<true> : vector<16xi1>
      %not3A_81 = arith.xori %or3A_79, %not3A_80 : vector<16xi1>
      %broadcast_in_dim3A = arith.constant 1.000000e+00 : f32
      %broadcast_in_dim3A_82 = vector.broadcast %broadcast_in_dim3A : f32 to vector<16xf32>
      %broadcast_in_dim3A_83 = arith.constant 0.000000e+00 : f32
      %broadcast_in_dim3A_84 = vector.broadcast %broadcast_in_dim3A_83 : f32 to vector<16xf32>
      %mul3A_85 = arith.constant 4 : i32
      %mul3A_86 = vector.broadcast %mul3A_85 : i32 to vector<16xi32>
      %mul3A_87 = arith.muli %add3A_16, %mul3A_86 : vector<16xi32>
      %add3A_88 = arith.constant 0 : i32
      %add3A_89 = vector.broadcast %add3A_88 : i32 to vector<16xi32>
      %add3A_90 = arith.addi %mul3A_87, %add3A_89 : vector<16xi32>
      %select_n3A = arith.select %ge3A, %broadcast_in_dim3A_82, %broadcast_in_dim3A_84 : vector<16xi1>, vector<16xf32>
      tpu.vector_store_idx %arg5[%add3A_90], %select_n3A : memref<2048xf32, #tpu.memory_space<vmem>>[vector<16xi32>], vector<16xf32>,
      %add3A_91 = arith.constant 1 : i32
      %add3A_92 = vector.broadcast %add3A_91 : i32 to vector<16xi32>
      %add3A_93 = arith.addi %mul3A_87, %add3A_92 : vector<16xi32>
      %select_n3A_94 = arith.select %and3A, %broadcast_in_dim3A_82, %broadcast_in_dim3A_84 : vector<16xi1>, vector<16xf32>
      tpu.vector_store_idx %arg5[%add3A_93], %select_n3A_94 : memref<2048xf32, #tpu.memory_space<vmem>>[vector<16xi32>], vector<16xf32>,
      %add3A_95 = arith.constant 2 : i32
      %add3A_96 = vector.broadcast %add3A_95 : i32 to vector<16xi32>
      %add3A_97 = arith.addi %mul3A_87, %add3A_96 : vector<16xi32>
      %select_n3A_98 = arith.select %and3A_77, %broadcast_in_dim3A_82, %broadcast_in_dim3A_84 : vector<16xi1>, vector<16xf32>
      tpu.vector_store_idx %arg5[%add3A_97], %select_n3A_98 : memref<2048xf32, #tpu.memory_space<vmem>>[vector<16xi32>], vector<16xf32>,
      %add3A_99 = arith.constant 3 : i32
      %add3A_100 = vector.broadcast %add3A_99 : i32 to vector<16xi32>
      %add3A_101 = arith.addi %mul3A_87, %add3A_100 : vector<16xi32>
      %select_n3A_102 = arith.select %not3A_81, %broadcast_in_dim3A_82, %broadcast_in_dim3A_84 : vector<16xi1>, vector<16xf32>
      tpu.vector_store_idx %arg5[%add3A_101], %select_n3A_102 : memref<2048xf32, #tpu.memory_space<vmem>>[vector<16xi32>], vector<16xf32>,
    }
    %scan3A_9 = arith.constant 32 : i32
    %mul3A_10 = arith.constant 4 : i32
    %mul3A_11 = arith.muli %mul3A_2, %mul3A_10 : i32
    "tpu.region"() ({
      %run_scoped3A = tpu.sem_alloc : memref<!tpu.dma_semaphore, #tpu.memory_space<semaphore_mem>>
      %dma_start3A = tpu.memref_slice %arg3[%mul3A_11] : memref<65536xf32, #tpu.memory_space<hbm>> -> memref<2048xf32, #tpu.memory_space<hbm>>
      %dma_start3A_12 = tpu.memref_slice %arg3[%mul3A_11] : memref<65536xf32, #tpu.memory_space<hbm>> -> memref<2048xf32, #tpu.memory_space<hbm>>
      tpu.enqueue_dma source(%arg5 : memref<2048xf32, #tpu.memory_space<vmem>>) target(%dma_start3A_12 : memref<2048xf32, #tpu.memory_space<hbm>>) target_semaphore(%run_scoped3A : memref<!tpu.dma_semaphore, #tpu.memory_space<semaphore_mem>>)
      %dma_wait3A = tpu.memref_slice %arg3[%mul3A_11] : memref<65536xf32, #tpu.memory_space<hbm>> -> memref<2048xf32, #tpu.memory_space<hbm>>
      %dma_wait3A_13 = tpu.memref_slice %arg3[%mul3A_11] : memref<65536xf32, #tpu.memory_space<hbm>> -> memref<2048xf32, #tpu.memory_space<hbm>>
      tpu.wait_dma2 semaphore(%run_scoped3A : memref<!tpu.dma_semaphore, #tpu.memory_space<semaphore_mem>>) src(%arg5 : memref<2048xf32, #tpu.memory_space<vmem>>) dst(%dma_wait3A_13 : memref<2048xf32, #tpu.memory_space<hbm>>)
      tpu.yield
    }) : () -> ()
    return
  }
}

module attributes {stable_mosaic.version = 14 : i64} {
  func.func @_sims_body(%arg0: i32, %arg1: memref<4096x128xf32, #tpu.memory_space<vmem>>, %arg2: memref<128x16xf32, #tpu.memory_space<vmem>>, %arg3: memref<4096x16xf32, #tpu.memory_space<vmem>>) attributes {dimension_semantics = [#tpu.dimension_semantics<arbitrary>], iteration_bounds = array<i64: 4>, scalar_prefetch = 0 : i64, scratch_operands = 0 : i64, tpu.core_type = #tpu.core_type<tc>, window_params = [{transform_indices = @transform_0, window_bounds = array<i64: 4096, 128>}, {pipeline_mode = #tpu.pipeline_mode<synchronous>, transform_indices = @transform_1, window_bounds = array<i64: 128, 16>}, {transform_indices = @transform_2, window_bounds = array<i64: 4096, 16>}]} {
    %get3A = arith.constant 0 : index
    %get3A_0 = arith.constant 0 : index
    %get3A_1 = vector.load %arg2[%get3A, %get3A_0] : memref<128x16xf32, #tpu.memory_space<vmem>>, vector<128x16xf32>
    %mul3A = arith.mulf %get3A_1, %get3A_1 : vector<128x16xf32>
    %reduce_sum3A = arith.constant dense<0.000000e+00> : vector<16xf32>
    %reduce_sum3A_2 = vector.multi_reduction <add>, %mul3A, %reduce_sum3A [0] : vector<128x16xf32> to vector<16xf32>
    %broadcast_in_dim3A = vector.shape_cast %reduce_sum3A_2 : vector<16xf32> to vector<1x16xf32>
    %max3A = arith.constant 1.000000e-30 : f32
    %max3A_3 = vector.broadcast %max3A : f32 to vector<1x16xf32>
    %max3A_4 = arith.maximumf %broadcast_in_dim3A, %max3A_3 : vector<1x16xf32>
    %rsqrt3A = math.rsqrt %max3A_4 : vector<1x16xf32>
    %mul3A_5 = vector.broadcast %rsqrt3A : vector<1x16xf32> to vector<128x16xf32>
    %mul3A_6 = arith.mulf %get3A_1, %mul3A_5 : vector<128x16xf32>
    %get3A_7 = arith.constant 0 : index
    %get3A_8 = arith.constant 0 : index
    %get3A_9 = vector.load %arg1[%get3A_7, %get3A_8] : memref<4096x128xf32, #tpu.memory_space<vmem>>, vector<4096x128xf32>
    %dot_general3A = arith.constant dense<0.000000e+00> : vector<4096x16xf32>
    %dot_general3A_10 = tpu.matmul %get3A_9, %mul3A_6, %dot_general3A {dimension_numbers = #tpu.dot_dimension_numbers<[1], [0], [0], [1], [0, 0, 1, 1], [], []>, precision = #tpu.contract_precision<fp32>, transpose_lhs_hint = false} : vector<4096x128xf32>, vector<128x16xf32>, vector<4096x16xf32> -> vector<4096x16xf32>
    %swap3A = arith.constant 0 : index
    %swap3A_11 = arith.constant 0 : index
    %swap3A_12 = vector.load %arg3[%swap3A, %swap3A_11] : memref<4096x16xf32, #tpu.memory_space<vmem>>, vector<4096x16xf32>
    tpu.vector_store %arg3[%swap3A, %swap3A_11], %dot_general3A_10 {strides = array<i32>} : memref<4096x16xf32, #tpu.memory_space<vmem>>, vector<4096x16xf32>,
    return
  }
  func.func @transform_0(%arg0: i32) -> (i32, i32) {
    %c0_i32 = arith.constant 0 : i32
    %c0_i32_0 = arith.constant 0 : i32
    return %arg0, %c0_i32 : i32, i32
  }
  func.func @transform_1(%arg0: i32) -> (i32, i32) {
    %c0_i32 = arith.constant 0 : i32
    %c0_i32_0 = arith.constant 0 : i32
    %c0_i32_1 = arith.constant 0 : i32
    return %c0_i32, %c0_i32_0 : i32, i32
  }
  func.func @transform_2(%arg0: i32) -> (i32, i32) {
    %c0_i32 = arith.constant 0 : i32
    %c0_i32_0 = arith.constant 0 : i32
    return %arg0, %c0_i32 : i32, i32
  }
}

</mosaic_0001>

<sc_bundles>
// kernel: kernel.4.cloned.1.call-start
scs
__scs_entry_jumppad:
0x0: {  	(pc) =	sbr.rel $0x88, $3  }
0x1: {  	(tag) =	ssettag $0x0;
	lr =	simm.s32 $0x1  }
0x2: {  	[smem:$0x3F9F] =	sst lr;
	_ =	strace $0xD0000000  }
0x3: {  	_ = 	snop  }
0x4: {  	_ = 	snop  }
0x5: {  	_ = 	snop  }
0x6: {  	_ = 	snop  }
0x7: {  	_ = 	snop  }
__scs_overlays_trampoline_lowered:
0x8: {  	[smem:$0x3FAE] =	sst s0  }
0x9: {  	[smem:$0x3FAF] =	sst s1  }
0xa: {  	[smem:$0x3FB0] =	sst s2  }
0xb: {  	[smem:$0x3FB1] =	sst s3  }
0xc: {  	[smem:$0x3FB2] =	sst s4  }
0xd: {  	[smem:$0x3FB3] =	sst s5  }
0xe: {  	[smem:$0x3FB4] =	sst s6  }
0xf: {  	[smem:$0x3FB5] =	sst s7  }
0x10: {  	[smem:$0x3FB6] =	sst s8  }
0x11: {  	[smem:$0x3FB7] =	sst s9;
	s0 =	simm.s32 @!p0 $0x0  }
0x12: {  	s1 =	sld [smem:$0x3F9D];
	s0 =	simm.s32 @p0 $0x1  }
0x13: {  	[smem:$0x3FB8] =	sst s0;
	s0 =	simm.s32 @!p1 $0x0  }
0x14: {  	s2 =	sld [smem:$0x3F9C];
	s0 =	simm.s32 @p1 $0x1  }
0x15: {  	[smem:$0x3FB9] =	sst s0;
	s0 =	simm.s32 @!p2 $0x0  }
0x16: {  	s3 =	sld [smem:$0x3FDB];
	s0 =	simm.s32 @p2 $0x1  }
0x17: {  	s4 =	simm.s32 $0x1BF5;
	[smem:$0x3FBB] =	sst s0  }
0x18: {  	s0 =	sld [smem:$0x3F9E];
	_ =	swait.ge [sflag:s4], $0x0  }
0x19: {  	s7 =	sld [smem:$0x3F9F]  }
0x1a: {  	s8 =	sadd.s32 $0xFFFFE003, lr  }
0x1b: {  	s9 =	sadd.s32 $0xFFFFFEF7, lr;
	s5 =	simm.s32 $0xFFFFFFFF;
	p2 =	slt.u32 s8, $0xFFFFF086  }
0x1c: {  	p1 =	slt.u32 s9, $0xF7A;
	s5 =	simm.s32 @!p2 $0x0  }
0x1d: {  	s5 =	simm.s32 @p1 $0x1;
	p0 =	seq.s32 s7, s2  }
0x1e: {  	s7 =	smul.u32 @!p0 $0xF7A, s2;
	p2 =	seq.s32 @!p0 s5, $0x0  }
0x1f: {  	s9 =	smul.u32 $0xF7A, s1;
	s8 =	simm.s32 @!p0 $0x1BF5;
	p2 =	por !p2, p0  }
0x20: {  	[sflag:s8] =	ssyncset.s32 @!p0 $0xFFFFF086;
	s6 =	sadd.s32 @!p0 s3, s7;
	s7 =	simm.s32 @!p0 $0x108  }
0x21: {  	s3 =	sadd.s32 s3, s9;
	s6 =	sadd.s32 @!p0 $0x88, s6;
	s7 =	simm.s32 @p2 $0x1082  }
0x22: {  	[simem:s7], [sflag:s8] =	dma.local @!p0 [hbm:s6], $0xF7A  }
0x23: {  	s9 =	sor.u32 $0xD0000000, s2;
	s6 =	simm.s32 $0x108;
	_ =	swait.ge @!p0 [sflag:s8], $0x0  }
0x24: {  	s3 =	sadd.s32 $0x88, s3;
	s6 =	simm.s32 @!p1 $0x1082;
	[sflag:s4] =	ssyncset.s32 $0xFFFFF086  }
0x25: {  	[simem:s6], [sflag:s4] =	dma.local [hbm:s3], $0xF7A  }
0x26: {  	[smem:$0x3F9F] =	sst s1;
	(tag) =	ssettag s2;
	_ =	strace s9  }
0x27: {  	s1 =	sld [smem:$0x3FAF]  }
0x28: {  	s2 =	sld [smem:$0x3FB0]  }
0x29: {  	s4 =	sld [smem:$0x3FB2]  }
0x2a: {  	p0 =	seq.s32 s5, $0x0;
	s5 =	sld [smem:$0x3FB3]  }
0x2b: {  	s6 =	sld [smem:$0x3FB4]  }
0x2c: {  	s7 =	sld [smem:$0x3FB5]  }
0x2d: {  	s3 =	simm.s32 $0x108;
	s8 =	sld [smem:$0x3FB6]  }
0x2e: {  	s3 =	simm.s32 @!p0 $0x1082;
	s9 =	sld [smem:$0x3FB7]  }
0x2f: {  	lr =	sadd.s32 s0, s3;
	s0 =	sld [smem:$0x3FAE]  }
0x30: {  	s3 =	sld [smem:$0x3FB1]  }
0x31: {  	[smem:$0x3FBA] =	sst s10  }
0x32: {  	s10 =	sld [smem:$0x3FB8];
	_ =	sdelay $0x3  }
0x33: {  	p0 =	seq.s32 s10, $0x1;
	s10 =	sld [smem:$0x3FBA];
	_ =	sdelay $0x3  }
0x34: {  	[smem:$0x3FBA] =	sst s10  }
0x35: {  	s10 =	sld [smem:$0x3FB9];
	_ =	sdelay $0x3  }
0x36: {  	p1 =	seq.s32 s10, $0x1;
	s10 =	sld [smem:$0x3FBA];
	_ =	sdelay $0x3  }
0x37: {  	[smem:$0x3FBA] =	sst s10  }
0x38: {  	s10 =	sld [smem:$0x3FBB]  }
0x39: {  	_ = 	snop;
	(pc) =	sbr.ind lr, $3  }
0x3a: {  	_ = 	snop  }
0x3b: {  	_ = 	snop  }
0x3c: {  	p2 =	seq.s32 s10, $0x1;
	s10 =	sld [smem:$0x3FBA]  }
0x3d: {  	_ =	shalt  }
0x3e: {  	_ =	shalt  }
0x3f: {  	_ =	shalt  }
0x40: {  	_ =	shalt  }
0x41: {  	_ =	shalt  }
0x42: {  	_ =	shalt  }
0x43: {  	_ =	shalt  }
0x44: {  	_ =	shalt  }
0x45: {  	_ =	shalt  }
0x46: {  	_ =	shalt  }
0x47: {  	_ =	shalt  }
0x48: {  	_ =	shalt  }
0x49: {  	_ =	shalt  }
0x4a: {  	_ =	shalt  }
0x4b: {  	_ =	shalt  }
0x4c: {  	_ =	shalt  }
0x4d: {  	_ =	shalt  }
0x4e: {  	_ =	shalt  }
0x4f: {  	_ =	shalt  }
0x50: {  	_ =	shalt  }
0x51: {  	_ =	shalt  }
0x52: {  	_ =	shalt  }
0x53: {  	_ =	shalt  }
0x54: {  	_ =	shalt  }
0x55: {  	_ =	shalt  }
0x56: {  	_ =	shalt  }
0x57: {  	_ =	shalt  }
0x58: {  	_ =	shalt  }
0x59: {  	_ =	shalt  }
0x5a: {  	_ =	shalt  }
0x5b: {  	_ =	shalt  }
0x5c: {  	_ =	shalt  }
0x5d: {  	_ =	shalt  }
0x5e: {  	_ =	shalt  }
0x5f: {  	_ =	shalt  }
0x60: {  	_ =	shalt  }
0x61: {  	_ =	shalt  }
0x62: {  	_ =	shalt  }
0x63: {  	_ =	shalt  }
0x64: {  	_ =	shalt  }
0x65: {  	_ =	shalt  }
0x66: {  	_ =	shalt  }
0x67: {  	_ =	shalt  }
0x68: {  	_ =	shalt  }
0x69: {  	_ =	shalt  }
0x6a: {  	_ =	shalt  }
0x6b: {  	_ =	shalt  }
0x6c: {  	_ =	shalt  }
0x6d: {  	_ =	shalt  }
0x6e: {  	_ =	shalt  }
0x6f: {  	_ =	shalt  }
0x70: {  	_ =	shalt  }
0x71: {  	_ =	shalt  }
0x72: {  	_ =	shalt  }
0x73: {  	_ =	shalt  }
0x74: {  	_ =	shalt  }
0x75: {  	_ =	shalt  }
0x76: {  	_ =	shalt  }
0x77: {  	_ =	shalt  }
0x78: {  	_ =	shalt  }
0x79: {  	_ =	shalt  }
0x7a: {  	_ =	shalt  }
0x7b: {  	_ =	shalt  }
0x7c: {  	_ =	shalt  }
0x7d: {  	_ =	shalt  }
0x7e: {  	_ =	shalt  }
0x7f: {  	_ =	shalt  }
0x80: {  	_ =	shalt  }
0x81: {  	_ =	shalt  }
0x82: {  	_ =	shalt  }
0x83: {  	_ =	shalt  }
0x84: {  	_ =	shalt  }
0x85: {  	_ =	shalt  }
0x86: {  	_ =	shalt  }
0x87: {  	_ =	shalt  }
.Lfunc_end0:
.L_simem_size_0:
called_computation_lowered:
.L_overlay_start_0:
0x88: {  	s2 =	sld [smem:$0x3FD9]  }
0x89: {  	s3 =	sld [smem:$0x3FFE];
	_ =	sdelay $0x1  }
0x8a: {  	s1 =	srdreg.scid  }
0x8b: {  	s0 =	sand.u32 $0x1, s1  }
0x8c: {  	s17 =	sshll.u32 s0, $0xA;
	s2 =	sadd.s32 s3, s2  }
0x8d: {  	s2 =	sadd.s32 s2, s17  }
0x8e: {  	[smem:$0x3FC6] =	sst s2  }
0x8f: {  	_ = 	snop  }
0x90: {  	s2 =	sld [smem:$0x3FD0];
	(tm) =	ssettm $0x1  }
0x91: {  	s18 =	sld [smem:$0x3FFB];
	_ =	sdelay $0x3  }
0x92: {  	_ =	strace s18  }
0x93: {  	s3 =	sld [smem:$0x3FFC];
	_ =	sdelay $0x3  }
0x94: {  	_ =	strace s3  }
0x95: {  	s3 =	sld [smem:$0x3FFD];
	_ =	sdelay $0x3  }
0x96: {  	_ =	strace s3  }
0x97: {  	_ =	strace $0x8FFFFFFF  }
0x98: {  	s19 =	sld [smem:$0x3FDB];
	_ =	sdelay $0x1  }
0x99: {  	s4 =	simm.s32 $_scs_section_size  }
0x9a: {  	s5 =	simm.s32 $_size__tile_overlayer_lowered;
	s6 =	simm.s32 $_tile_overlayer_lowered  }
0x9b: {  	s22 =	simm.s32 $0x1BFF;
	s21 =	sshll.u32 s6, $0x1;
	s3 =	sadd.s32 s4, s19  }
0x9c: {  	s7 =	simm.s32 $0x0;
	s20 =	sshll.u32 s5, $0x1;
	s5 =	sadd.s32 s21, s3  }
0x9d: {  	[timem:s7], [sflag:s22] =	dma.local [hbm:s5], s20  }
0x9e: {  	_ =	swait.ge [sflag:s22], s20  }
0x9f: {  	s4 =	ssub.s32 $0x0, s20;
	[sflag:s22] =	ssyncset.done $0x0  }
0xa0: {  	[sflag:s22] =	ssyncadd.s32 s4;
	_ =	sdelay $0x1  }
0xa1: {  	s23 =	simm.s32 $0x1B8B  }
0xa2: {  	_ =	swait.ge [sflag:s23], $0x1  }
0xa3: {  	[sflag:s23] =	ssyncset.done $0x0  }
0xa4: {  	s25 =	simm.s32 $0x1B8E;
	s24 =	sld [smem:$0x3FFE];
	[sflag:s23] =	ssyncadd.s32 $0xFFFFFFFF  }
0xa5: {  	s26 =	simm.s32 $execute0_lowered;
	[smem:$0x3FD2] =	sst s25  }
0xa6: {  	s5 =	sshll.u32 s26, $0x1;
	_ =	strace $0x80000046;
	[dreg:$0x1] =	wrdreg $0xFFFFFFFF  }
0xa7: {  	s28 =	simm.s32 $_size_execute0_lowered;
	s3 =	sadd.s32 s3, s5;
	[dreg:$0x0] =	wrdreg $0x0  }
0xa8: {  	s5 =	sshll.u32 s28, $0x1;
	[dreg:$0x2] =	wrdreg s3  }
0xa9: {  	[dreg:$0x3] =	wrdreg s5  }
0xaa: {  	[dreg:$0x4] =	wrdreg $0xC0  }
0xab: {  	_ =	task [dreg:s7], $0x5FFFF  }
0xac: {  	[dreg:$0x1] =	wrdreg $0xFFFFFFFF  }
0xad: {  	[dreg:$0x0] =	wrdreg $0x60  }
0xae: {  	[dreg:$0x2] =	wrdreg s24  }
0xaf: {  	[dreg:$0x3] =	wrdreg s2  }
0xb0: {  	[dreg:$0x4] =	wrdreg $0x9  }
0xb1: {  	_ =	task.clear_ibuf [dreg:s7], $0x5FFFF;
	_ =	strace $0x90000046  }
0xb2: {  	s29 =	simm.s32 $0x9;
	_ =	strace $0x80000048  }
0xb3: {  	_ =	swait.ge [sflag:s29], $0x1  }
0xb4: {  	[sflag:s29] =	ssyncadd.s32 $0xFFFFFFFF  }
0xb5: {  	_ =	strace $0x90000048  }
0xb6: {  	_ =	sfence  }
0xb7: {  	s30 =	sld [smem:$0x0];
	_ =	sdelay $0x2  }
0xb8: {  	s31 =	sshll.u32 s1, $0xD;
	s1 =	sshrl.u32 s1, $0x2  }
0xb9: {  	s3 =	sand.u32 $0x4000, s31;
	s1 =	sadd.s32 s1, s30  }
0xba: {  	s0 =	sor.u32 s3, s0;
	s1 =	sshll.u32 s1, $0x11  }
0xbb: {  	s0 =	sor.u32 s1, s0  }
0xbc: {  	s0 =	sadd.s32 $0x8F2B, s0  }
0xbd: {  	[sflag:s0] =	ssyncadd.remote.s32 $0x1  }
0xbe: {  	_ =	sfence.sel $0xFFFF  }
0xbf: {  	[dreg:$0x0] =	wrdreg $0xFFFFFFFF;
	(pc) =	sbr.abs _section_cstart, $3  }
0xc0: {  	[dreg:$0x1] =	wrdreg $0xFFFFFFFF  }
0xc1: {  	_ =	task.clear_ibuf [dreg:s7], $0x2FFFF;
	_ =	strace $0x9FFFFFFF  }
0xc2: {  	(tm) =	ssettm $0x7FFFFFFF  }
0xc3: {  	_ =	shalt  }
tec
execute0_lowered:
.L_overlay_start_1:
0x0: {  	(tag) =	ssettag $0x1  }
0x1: {  	s3 =	rddreg [dreg:$0x0]  }
0x2: {  	s4 =	rddreg [dreg:$0x1]  }
0x3: {  	s0 =	rddreg [dreg:$0x2]  }
0x4: {  	s5 =	srdreg.scid;
	s1 =	stileid.u32  }
0x5: {  	s2 =	simm.s32 $0x0;
	s5 =	sand.u32 $0x1, s5;
	s6 =	sshll.u32 s1, $0x1  }
0x6: {  	[smem:$0x7FF] =	sst s2;
	s6 =	sor.u32 s5, s6;
	s5 =	ssub.s32 $0x2, s5  }
0x7: {  	_ =	strace $0x80000047;
	s7 =	sshll.u32 s6, $0xA;
	s8 =	sshrl.u32 s5, $0x1  }
0x8: {  	s6 =	sshll.u32 s6, $0x8;
	s3 =	sadd.s32 s7, s3;
	s5 =	ssub.s32 s5, s8  }
0x9: {  	s4 =	sadd.s32 s4, s6;
	s6 =	simm.s32 $0x1;
	s7 =	simm.s32 $0x2000  }
0xa: {  	v0 =	vlaneseq.u32;
	v1 =	vimm.f32 $0.0e+00;
	v2 =	vimm.f32 $1.000000000e+00;
	s8 =	simm.s32 $0x0;
	s3 =	sadd.s32 $0x600, s3;
	s5 =	smax.u32 s5, $0x1  }
.LBB2_1:
0xb: {  	v3 =	vor.u32 s2, v0  }
0xc: {  	v10 =	vshll.u32 v3, $0x4  }
0xd: {  	[tilespmem:s2], [sflag:$0x1] =	stream.linear.gather [hbm4b:s3+s2], $0x2000, $0x38;
	v4 =	vor.u32 $0x3, v10;
	[tilespmem:$0x2800] =	vst v63  }
0xe: {  	_ =	swait.ge [sflag:s6], $0x2000;
	v6 =	vor.u32 $0x2, v10  }
0xf: {  	[sflag:s6] =	ssyncset.done $0x0;
	v8 =	vor.u32 $0x1, v10  }
0x10: {  	v11 =	vor.u32 $0x4, v10;
	[sflag:s6] =	ssyncadd.s32 $0xFFFFE000  }
0x11: {  	v14 =	vor.u32 $0x5, v10;
	v9 =	vld.idx.msk [tilespmem:v10+s2+$0x0], $0xffff  }
0x12: {  	v7 =	vor.u32 $0x6, v10;
	v5 =	vld.idx.msk [tilespmem:v4+s2+$0x0], $0xffff  }
0x13: {  	v4 =	vor.u32 $0x7, v10;
	v6 =	vld.idx.msk [tilespmem:v6+s2+$0x0], $0xffff  }
0x14: {  	v16 =	vor.u32 $0x8, v10;
	v12 =	vld.idx.msk [tilespmem:v8+s2+$0x0], $0xffff  }
0x15: {  	v15 =	vor.u32 $0x9, v10;
	v8 =	vld.idx.msk [tilespmem:v11+s2+$0x0], $0xffff  }
0x16: {  	v11 =	vld.idx.msk [tilespmem:v14+s2+$0x0], $0xffff;
	v14 =	vor.u32 $0xA, v10  }
0x17: {  	v7 =	vld.idx.msk [tilespmem:v7+s2+$0x0], $0xffff  }
0x18: {  	v13 =	vld.idx.msk [tilespmem:v4+s2+$0x0], $0xffff  }
0x19: {  	v10 =	vld.idx.msk [tilespmem:v16+s2+$0x0], $0xffff  }
0x1a: {  	s9 =	simm.s32 $0x10;
	v4 =	vld.idx.msk [tilespmem:v15+s2+$0x0], $0xffff  }
.LBB2_2:
0x1b: {  	p0 =	sne.s32 s9, $0x1F0;
	v14 =	vld.idx.msk [tilespmem:v14+s2+$0x0], $0xffff;
	v9 =	vmax.f32 v9, v12;
	v12 =	vshll.u32 v3, $0x2;
	s10 =	smov.u32 s9;
	s9 =	sadd.s32 $0x10, s9  }
0x1c: {  	v5 =	vmax.f32 v6, v5;
	v3 =	vor.u32 s10, v0;
	v6 =	vor.u32 $0x3, v12  }
0x1d: {  	v5 =	vmax.f32 v9, v5;
	v7 =	vmax.f32 v7, v13;
	v15 =	vshll.u32 v3, $0x4  }
0x1e: {  	v8 =	vmax.f32 v8, v11;
	v13 =	vor.u32 $0x4, v15;
	v16 =	vor.u32 $0x5, v15  }
0x1f: {  	v11 =	vor.u32 $0x1, v15;
	v17 =	vor.u32 $0x7, v15;
	v7 =	vmax.f32 v8, v7  }
0x20: {  	v8 =	vor.u32 $0x3, v15;
	v18 =	vor.u32 $0x6, v15;
	v7 =	vmax.f32 v7, v10  }
0x21: {  	v9 =	vor.u32 $0x2, v15;
	v10 =	vmax.f32 v5, v7;
	v14 =	vmax.f32 v4, v14  }
0x22: {  	v19 =	vor.u32 $0x2, v12;
	v10 =	vmax.f32 v10, v14;
	v14 =	vor.u32 $0x1, v12  }
0x23: {  	vm0 =	vge.f32 v5, v10;
	vm1 =	vge.f32 v7, v10;
	vm2 =	vge.f32 v4, v10  }
0x24: {  	vm3 =	vmneg vm0;
	vm4 =	vmor vm0, vm1;
	v4 =	vsel vm0, $0x3F800000, v1  }
0x25: {  	vm0 =	vmand vm1, vm3;
	vm1 =	vmneg vm4;
	vm3 =	vmor vm2, vm4;
	[tilespmem:v12+s7+$0x0] =	vst.idx.msk $0xffff, v4  }
0x26: {  	vm1 =	vmand vm2, vm1;
	v4 =	vsel vm0, $0x3F800000, v1  }
0x27: {  	[tilespmem:v14+s7+$0x0] =	vst.idx.msk $0xffff, v4;
	v4 =	vsel vm1, $0x3F800000, v1  }
0x28: {  	[tilespmem:v19+s7+$0x0] =	vst.idx.msk $0xffff, v4;
	v4 =	vsel vm3, $0x0, v2  }
0x29: {  	[tilespmem:v6+s7+$0x0] =	vst.idx.msk $0xffff, v4  }
0x2a: {  	v5 =	vld.idx.msk [tilespmem:v8+s2+$0x0], $0xffff  }
0x2b: {  	v6 =	vld.idx.msk [tilespmem:v9+s2+$0x0], $0xffff  }
0x2c: {  	v9 =	vld.idx.msk [tilespmem:v15+s2+$0x0], $0xffff  }
0x2d: {  	v4 =	vor.u32 $0x9, v15;
	v7 =	vld.idx.msk [tilespmem:v18+s2+$0x0], $0xffff  }
0x2e: {  	v10 =	vor.u32 $0x8, v15;
	v12 =	vld.idx.msk [tilespmem:v11+s2+$0x0], $0xffff  }
.Ltmp0:
0x2f: {  	v14 =	vor.u32 $0xA, v15;
	v8 =	vld.idx.msk [tilespmem:v13+s2+$0x0], $0xffff;
	(pc) =	sbr.rel @p0 .LBB2_2-.Ltmp0, $4  }
0x30: {  	v13 =	vld.idx.msk [tilespmem:v17+s2+$0x0], $0xffff  }
0x31: {  	v11 =	vld.idx.msk [tilespmem:v16+s2+$0x0], $0xffff  }
0x32: {  	v4 =	vld.idx.msk [tilespmem:v4+s2+$0x0], $0xffff  }
0x33: {  	v10 =	vld.idx.msk [tilespmem:v10+s2+$0x0], $0xffff  }
0x34: {  	_ =	sdelay $0x3  }
0x35: {  	v14 =	vld.idx.msk [tilespmem:v14+s2+$0x0], $0xffff;
	_ =	sdelay $0x1  }
0x36: {  	v7 =	vmax.f32 v7, v13;
	v8 =	vmax.f32 v8, v11  }
0x37: {  	v9 =	vmax.f32 v9, v12;
	v5 =	vmax.f32 v6, v5;
	v57 =	vmax.f32 v8, v7  }
0x38: {  	v5 =	vmax.f32 v9, v5;
	v6 =	vmax.f32 v57, v10  }
0x39: {  	v3 =	vshll.u32 v3, $0x2;
	v58 =	vmax.f32 v5, v6;
	v59 =	vmax.f32 v4, v14  }
0x3a: {  	v60 =	vor.u32 $0x3, v3;
	v61 =	vor.u32 $0x1, v3;
	v7 =	vmax.f32 v58, v59  }
0x3b: {  	v62 =	vor.u32 $0x2, v3;
	vm0 =	vge.f32 v5, v7;
	vm1 =	vge.f32 v6, v7  }
0x3c: {  	vm2 =	vge.f32 v4, v7;
	vm3 =	vmneg vm0;
	vm4 =	vmor vm0, vm1  }
0x3d: {  	v63 =	vsel vm0, $0x3F800000, v1;
	vm13 =	vmand vm1, vm3;
	vm14 =	vmneg vm4  }
0x3e: {  	[tilespmem:v3+s7+$0x0] =	vst.idx.msk $0xffff, v63;
	vm1 =	vmand vm2, vm14;
	v3 =	vsel vm13, $0x3F800000, v1  }
0x3f: {  	s8 =	sadd.s32 $0x1, s8;
	vm15 =	vmor vm2, vm4;
	[tilespmem:v61+s7+$0x0] =	vst.idx.msk $0xffff, v3;
	v3 =	vsel vm1, $0x3F800000, v1  }
0x40: {  	p0 =	sne.s32 s8, s5;
	[tilespmem:v62+s7+$0x0] =	vst.idx.msk $0xffff, v3;
	v3 =	vsel vm15, $0x0, v2  }
.Ltmp1:
0x41: {  	[tilespmem:v60+s7+$0x0] =	vst.idx.msk $0xffff, v3;
	(pc) =	sbr.rel @p0 .LBB2_1-.Ltmp1, $4  }
0x42: {  	[hbm4b:s4+s2] =	stream.linear.scatter [tilespmem:s7], [sflag:$0x1], $0x800, $0x38;
	[tilespmem:$0x2800] =	vst v63  }
0x43: {  	_ =	swait.ge [sflag:s6], $0x800  }
0x44: {  	[sflag:s6] =	ssyncset.done $0x0  }
0x45: {  	[sflag:s6] =	ssyncadd.s32 $0xFFFFF800  }
0x46: {  	_ =	sfence.sel $0x180000  }
0x47: {  	[bflag:$0x0] =	sbarrier.arrive $0xFFFF  }
0x48: {  	p0 =	sne.s32 s1, $0x0;
	_ =	strace $0x90000047  }
0x49: {  	s0 =	sadd.s32 @!p0 $0x100000, s0;
	[bflag:$0x2] =	sbarrier.arrive $0xFFFF  }
0x4a: {  	[sflag:s0] =	ssyncadd.tile.s32 @!p0 $0x1;
	_ =	shalt  }
.Lfunc_end2:
_tile_overlayer_lowered:
.L_overlay_start_2:
0x4b: {  	(tag) =	ssettag $0x2  }
0x4c: {  	s0 =	rddreg [dreg:$0x0];
	s2 =	stileid.u32  }
0x4d: {  	s1 =	rddreg [dreg:$0x1];
	p0 =	sne.s32 s2, $0x0  }
0x4e: {  	s3 =	rddreg [dreg:$0x2];
	[bflag:$0x3] =	sbarrier.arrive $0xFFFF;
	s2 =	simm.s32 @!p0 $0x1C01  }
0x4f: {  	[timem:s3], [sflag:s2] =	dma.local @!p0 [hbm:s0], s1  }
0x50: {  	s0 =	simm.s32 @!p0 $0x1  }
0x51: {  	_ =	swait.ge @!p0 [sflag:s0], s1  }
0x52: {  	s1 =	ssub.s32 @!p0 $0x0, s1;
	[sflag:s0] =	ssyncset.done @!p0 $0x0  }
0x53: {  	[sflag:s0] =	ssyncadd.s32 @!p0 s1  }
0x54: {  	[bflag:$0x3] =	sbarrier.arrive $0xFFFF  }
0x55: {  	_ =	shalt  }

</sc_bundles>
